<compile_context>
chip_gen: v7x
topology: tpu7x:2x2x1
jax: 0.10.2.dev20260603
libtpu: 0.0.44.dev20260713+nightly
codegen_flags: <defaults>
</compile_context>

<pallas_src>
import functools

import jax
import jax.numpy as jnp
from jax import lax
from jax.experimental import pallas as pl
from jax.experimental.pallas import tpu as pltpu
from jax.experimental.pallas import tpu_sc as plsc

BATCH = 16384
N_SPACE = 8
LANES = 16

_info = plsc.get_sparse_core_info()
_NC, _NS = 1, _info.num_subcores
_NW = _NC * _NS
_B_PER_W = BATCH // _NW
_VREGS = _B_PER_W // LANES

_mesh = plsc.VectorSubcoreMesh(
    core_axis_name="c", subcore_axis_name="s", num_cores=_NC)


@functools.partial(
    pl.kernel,
    mesh=_mesh,
    out_type=jax.ShapeDtypeStruct((BATCH,), jnp.float32),
    compiler_params=pltpu.CompilerParams(
        needs_layout_passes=False,
        disable_bounds_checks=True,
        disable_semaphore_checks=True,
        skip_device_barrier=True,
    ),
    scratch_types=[
        pltpu.VMEM((4 * _B_PER_W,), jnp.int32),
        pltpu.VMEM((N_SPACE, N_SPACE), jnp.float32),
        pltpu.VMEM((LANES,), jnp.float32),
        pltpu.VMEM((_B_PER_W,), jnp.float32),
        pltpu.SemaphoreType.DMA,
        pltpu.SemaphoreType.DMA,
    ],
)
def _sc_kernel(xt_hbm, xpt_hbm, alpha_hbm, beta_hbm, out_hbm,
               xiv, av, bv, ov, sem_in, sem_ab):
    wid = lax.axis_index("s") * _NC + lax.axis_index("c")
    base = wid * _B_PER_W
    W = _B_PER_W

    c4 = pltpu.async_copy(alpha_hbm, av, sem_ab)
    c5 = pltpu.async_copy(beta_hbm, bv.at[pl.ds(0, 1)], sem_ab)
    c0 = pltpu.async_copy(xt_hbm.at[0, pl.ds(base, W)], xiv.at[pl.ds(0, W)], sem_in)
    c1 = pltpu.async_copy(xt_hbm.at[1, pl.ds(base, W)], xiv.at[pl.ds(W, W)], sem_in)
    c2 = pltpu.async_copy(xpt_hbm.at[0, pl.ds(base, W)], xiv.at[pl.ds(2 * W, W)], sem_in)
    c3 = pltpu.async_copy(xpt_hbm.at[1, pl.ds(base, W)], xiv.at[pl.ds(3 * W, W)], sem_in)
    c0.wait()
    c1.wait()
    c2.wait()
    c3.wait()
    c4.wait()
    c5.wait()

    beta = bv[...][0]

    @pl.loop(0, _VREGS)
    def _compute(j):
        o = j * LANES
        x0 = xiv[pl.ds(o, LANES)]
        x1 = xiv[pl.ds(W + o, LANES)]
        xp0 = xiv[pl.ds(2 * W + o, LANES)]
        xp1 = xiv[pl.ds(3 * W + o, LANES)]
        al = plsc.load_gather(av, [xp1, x1])
        dt = jnp.abs(x0 - xp0).astype(jnp.float32)
        ov[pl.ds(o, LANES)] = al * beta * jnp.exp(-beta * dt)

    pltpu.sync_copy(ov, out_hbm.at[pl.ds(base, W)])


def kernel(x, xp, alpha, beta):
    return _sc_kernel(x.T, xp.T, alpha, beta)

# --- scband reference (transcript-rebuilt; emitter-appended) ---
"""Pipeline reference for scband-exponential-multivariate-kernel-36782099923574 (READ-ONLY COPY).

The authoritative reference and input builder live on the scoring server;
editing this copy changes nothing except your own understanding.
"""

import jax, jax.numpy as jnp
import numpy as np

BATCH = 16384
N_SPACE = 8

def setup_inputs(seed: int = 0) -> dict:
    key = jax.random.key(seed)
    k1, k2 = jax.random.split(key, 2)
    # column 0: event time (used as float), column 1: event-type index into alpha
    x = jax.random.randint(k1, (BATCH, 2), 0, N_SPACE).astype(jnp.int32)
    xp = jax.random.randint(k2, (BATCH, 2), 0, N_SPACE).astype(jnp.int32)
    # learned params matching init_kwargs: alpha = 0.1 everywhere, 0.5 on diagonal; beta = [0.5]
    alpha = jnp.asarray(np.full((N_SPACE, N_SPACE), 0.1, dtype=np.float32) + 0.4 * np.eye(N_SPACE, dtype=np.float32))
    beta = jnp.array([0.5], dtype=jnp.float32)
    return {"x": x, "xp": xp, "alpha": alpha, "beta": beta}

def reference(x, xp, alpha, beta):
    # gather pairwise excitation coefficient alpha[xp_type, x_type]
    alpha_ = alpha[xp[:, 1], x[:, 1]]
    dt = jnp.abs((x[:, 0] - xp[:, 0]).astype(jnp.float32))
    val = alpha_ * beta * jnp.exp(-beta * dt)
    return val

if __name__ == "__main__":
    import jax
    _d = setup_inputs()
    print(jax.jit(kernel)(*tuple(_d.values())))

</pallas_src>

<mosaic_0001>
#map = affine_map<(d0, d1) -> (0, 0)>
#map1 = affine_map<(d0, d1) -> (0)>
module attributes {stable_mosaic.version = 14 : i64} {
  func.func @_sc_kernel(%arg0: i32, %arg1: i32, %arg2: memref<2x16384xi32, #tpu.memory_space<hbm>>, %arg3: memref<2x16384xi32, #tpu.memory_space<hbm>>, %arg4: memref<8x8xf32, #tpu.memory_space<hbm>>, %arg5: memref<1xf32, #tpu.memory_space<hbm>>, %arg6: memref<16384xf32, #tpu.memory_space<hbm>>, %arg7: memref<4096xi32, #tpu.memory_space<vmem>>, %arg8: memref<8x8xf32, #tpu.memory_space<vmem>>, %arg9: memref<16xf32, #tpu.memory_space<vmem>>, %arg10: memref<1024xf32, #tpu.memory_space<vmem>>, %arg11: memref<!tpu.dma_semaphore, #tpu.memory_space<semaphore_mem>>, %arg12: memref<!tpu.dma_semaphore, #tpu.memory_space<semaphore_mem>>) attributes {dimension_semantics = [#tpu.dimension_semantics<core_parallel>, #tpu.dimension_semantics<subcore_parallel>], iteration_bounds = array<i64: 1, 16>, scalar_prefetch = 0 : i64, scratch_operands = 6 : i64, tpu.core_type = #tpu.core_type<sc_vector_subcore>, window_params = [{transform_indices = #map}, {transform_indices = #map}, {transform_indices = #map}, {transform_indices = #map1}, {transform_indices = #map1}]} {
    %mul3A = arith.constant 1 : i32
    %mul3A_0 = arith.muli %arg1, %mul3A : i32
    %add3A = arith.addi %mul3A_0, %arg0 : i32
    %mul3A_1 = arith.constant 1024 : i32
    %mul3A_2 = arith.muli %add3A, %mul3A_1 : i32
    tpu.enqueue_dma source(%arg4 : memref<8x8xf32, #tpu.memory_space<hbm>>) target(%arg8 : memref<8x8xf32, #tpu.memory_space<vmem>>) target_semaphore(%arg12 : memref<!tpu.dma_semaphore, #tpu.memory_space<semaphore_mem>>)
    %dma_start3A = arith.constant 0 : i32
    %dma_start3A_3 = tpu.memref_slice %arg9[%dma_start3A] : memref<16xf32, #tpu.memory_space<vmem>> -> memref<1xf32, #tpu.memory_space<vmem>>
    %dma_start3A_4 = arith.constant 0 : i32
    %dma_start3A_5 = tpu.memref_slice %arg9[%dma_start3A_4] : memref<16xf32, #tpu.memory_space<vmem>> -> memref<1xf32, #tpu.memory_space<vmem>>
    tpu.enqueue_dma source(%arg5 : memref<1xf32, #tpu.memory_space<hbm>>) target(%dma_start3A_5 : memref<1xf32, #tpu.memory_space<vmem>>) target_semaphore(%arg12 : memref<!tpu.dma_semaphore, #tpu.memory_space<semaphore_mem>>)
    %dma_start3A_6 = arith.constant 0 : i32
    %dma_start3A_7 = arith.constant 0 : i32
    %dma_start3A_8 = tpu.memref_slice %arg7[%dma_start3A_7] : memref<4096xi32, #tpu.memory_space<vmem>> -> memref<1024xi32, #tpu.memory_space<vmem>>
    %dma_start3A_9 = tpu.memref_slice %arg2[%dma_start3A_6, %mul3A_2] : memref<2x16384xi32, #tpu.memory_space<hbm>> -> memref<1x1024xi32, #tpu.memory_space<hbm>>
    %dma_start3A_10 = tpu.memref_squeeze %dma_start3A_9 : memref<1x1024xi32, #tpu.memory_space<hbm>> -> memref<1024xi32, #tpu.memory_space<hbm>>
    %dma_start3A_11 = arith.constant 0 : i32
    %dma_start3A_12 = tpu.memref_slice %arg7[%dma_start3A_11] : memref<4096xi32, #tpu.memory_space<vmem>> -> memref<1024xi32, #tpu.memory_space<vmem>>
    %dma_start3A_13 = tpu.memref_slice %arg2[%dma_start3A_6, %mul3A_2] : memref<2x16384xi32, #tpu.memory_space<hbm>> -> memref<1x1024xi32, #tpu.memory_space<hbm>>
    %dma_start3A_14 = tpu.memref_squeeze %dma_start3A_13 : memref<1x1024xi32, #tpu.memory_space<hbm>> -> memref<1024xi32, #tpu.memory_space<hbm>>
    tpu.enqueue_dma source(%dma_start3A_14 : memref<1024xi32, #tpu.memory_space<hbm>>) target(%dma_start3A_12 : memref<1024xi32, #tpu.memory_space<vmem>>) target_semaphore(%arg11 : memref<!tpu.dma_semaphore, #tpu.memory_space<semaphore_mem>>)
    %dma_start3A_15 = arith.constant 1 : i32
    %dma_start3A_16 = arith.constant 1024 : i32
    %dma_start3A_17 = tpu.memref_slice %arg7[%dma_start3A_16] : memref<4096xi32, #tpu.memory_space<vmem>> -> memref<1024xi32, #tpu.memory_space<vmem>>
    %dma_start3A_18 = tpu.memref_slice %arg2[%dma_start3A_15, %mul3A_2] : memref<2x16384xi32, #tpu.memory_space<hbm>> -> memref<1x1024xi32, #tpu.memory_space<hbm>>
    %dma_start3A_19 = tpu.memref_squeeze %dma_start3A_18 : memref<1x1024xi32, #tpu.memory_space<hbm>> -> memref<1024xi32, #tpu.memory_space<hbm>>
    %dma_start3A_20 = arith.constant 1024 : i32
    %dma_start3A_21 = tpu.memref_slice %arg7[%dma_start3A_20] : memref<4096xi32, #tpu.memory_space<vmem>> -> memref<1024xi32, #tpu.memory_space<vmem>>
    %dma_start3A_22 = tpu.memref_slice %arg2[%dma_start3A_15, %mul3A_2] : memref<2x16384xi32, #tpu.memory_space<hbm>> -> memref<1x1024xi32, #tpu.memory_space<hbm>>
    %dma_start3A_23 = tpu.memref_squeeze %dma_start3A_22 : memref<1x1024xi32, #tpu.memory_space<hbm>> -> memref<1024xi32, #tpu.memory_space<hbm>>
    tpu.enqueue_dma source(%dma_start3A_23 : memref<1024xi32, #tpu.memory_space<hbm>>) target(%dma_start3A_21 : memref<1024xi32, #tpu.memory_space<vmem>>) target_semaphore(%arg11 : memref<!tpu.dma_semaphore, #tpu.memory_space<semaphore_mem>>)
    %dma_start3A_24 = arith.constant 0 : i32
    %dma_start3A_25 = arith.constant 2048 : i32
    %dma_start3A_26 = tpu.memref_slice %arg7[%dma_start3A_25] : memref<4096xi32, #tpu.memory_space<vmem>> -> memref<1024xi32, #tpu.memory_space<vmem>>
    %dma_start3A_27 = tpu.memref_slice %arg3[%dma_start3A_24, %mul3A_2] : memref<2x16384xi32, #tpu.memory_space<hbm>> -> memref<1x1024xi32, #tpu.memory_space<hbm>>
    %dma_start3A_28 = tpu.memref_squeeze %dma_start3A_27 : memref<1x1024xi32, #tpu.memory_space<hbm>> -> memref<1024xi32, #tpu.memory_space<hbm>>
    %dma_start3A_29 = arith.constant 2048 : i32
    %dma_start3A_30 = tpu.memref_slice %arg7[%dma_start3A_29] : memref<4096xi32, #tpu.memory_space<vmem>> -> memref<1024xi32, #tpu.memory_space<vmem>>
    %dma_start3A_31 = tpu.memref_slice %arg3[%dma_start3A_24, %mul3A_2] : memref<2x16384xi32, #tpu.memory_space<hbm>> -> memref<1x1024xi32, #tpu.memory_space<hbm>>
    %dma_start3A_32 = tpu.memref_squeeze %dma_start3A_31 : memref<1x1024xi32, #tpu.memory_space<hbm>> -> memref<1024xi32, #tpu.memory_space<hbm>>
    tpu.enqueue_dma source(%dma_start3A_32 : memref<1024xi32, #tpu.memory_space<hbm>>) target(%dma_start3A_30 : memref<1024xi32, #tpu.memory_space<vmem>>) target_semaphore(%arg11 : memref<!tpu.dma_semaphore, #tpu.memory_space<semaphore_mem>>)
    %dma_start3A_33 = arith.constant 1 : i32
    %dma_start3A_34 = arith.constant 3072 : i32
    %dma_start3A_35 = tpu.memref_slice %arg7[%dma_start3A_34] : memref<4096xi32, #tpu.memory_space<vmem>> -> memref<1024xi32, #tpu.memory_space<vmem>>
    %dma_start3A_36 = tpu.memref_slice %arg3[%dma_start3A_33, %mul3A_2] : memref<2x16384xi32, #tpu.memory_space<hbm>> -> memref<1x1024xi32, #tpu.memory_space<hbm>>
    %dma_start3A_37 = tpu.memref_squeeze %dma_start3A_36 : memref<1x1024xi32, #tpu.memory_space<hbm>> -> memref<1024xi32, #tpu.memory_space<hbm>>
    %dma_start3A_38 = arith.constant 3072 : i32
    %dma_start3A_39 = tpu.memref_slice %arg7[%dma_start3A_38] : memref<4096xi32, #tpu.memory_space<vmem>> -> memref<1024xi32, #tpu.memory_space<vmem>>
    %dma_start3A_40 = tpu.memref_slice %arg3[%dma_start3A_33, %mul3A_2] : memref<2x16384xi32, #tpu.memory_space<hbm>> -> memref<1x1024xi32, #tpu.memory_space<hbm>>
    %dma_start3A_41 = tpu.memref_squeeze %dma_start3A_40 : memref<1x1024xi32, #tpu.memory_space<hbm>> -> memref<1024xi32, #tpu.memory_space<hbm>>
    tpu.enqueue_dma source(%dma_start3A_41 : memref<1024xi32, #tpu.memory_space<hbm>>) target(%dma_start3A_39 : memref<1024xi32, #tpu.memory_space<vmem>>) target_semaphore(%arg11 : memref<!tpu.dma_semaphore, #tpu.memory_space<semaphore_mem>>)
    %dma_wait3A = arith.constant 0 : i32
    %dma_wait3A_42 = arith.constant 0 : i32
    %dma_wait3A_43 = tpu.memref_slice %arg7[%dma_wait3A_42] : memref<4096xi32, #tpu.memory_space<vmem>> -> memref<1024xi32, #tpu.memory_space<vmem>>
    %dma_wait3A_44 = tpu.memref_slice %arg2[%dma_wait3A, %mul3A_2] : memref<2x16384xi32, #tpu.memory_space<hbm>> -> memref<1x1024xi32, #tpu.memory_space<hbm>>
    %dma_wait3A_45 = tpu.memref_squeeze %dma_wait3A_44 : memref<1x1024xi32, #tpu.memory_space<hbm>> -> memref<1024xi32, #tpu.memory_space<hbm>>
    %dma_wait3A_46 = arith.constant 0 : i32
    %dma_wait3A_47 = tpu.memref_slice %arg7[%dma_wait3A_46] : memref<4096xi32, #tpu.memory_space<vmem>> -> memref<1024xi32, #tpu.memory_space<vmem>>
    %dma_wait3A_48 = tpu.memref_slice %arg2[%dma_wait3A, %mul3A_2] : memref<2x16384xi32, #tpu.memory_space<hbm>> -> memref<1x1024xi32, #tpu.memory_space<hbm>>
    %dma_wait3A_49 = tpu.memref_squeeze %dma_wait3A_48 : memref<1x1024xi32, #tpu.memory_space<hbm>> -> memref<1024xi32, #tpu.memory_space<hbm>>
    tpu.wait_dma2 semaphore(%arg11 : memref<!tpu.dma_semaphore, #tpu.memory_space<semaphore_mem>>) src(%dma_wait3A_49 : memref<1024xi32, #tpu.memory_space<hbm>>) dst(%dma_wait3A_47 : memref<1024xi32, #tpu.memory_space<vmem>>)
    %dma_wait3A_50 = arith.constant 1 : i32
    %dma_wait3A_51 = arith.constant 1024 : i32
    %dma_wait3A_52 = tpu.memref_slice %arg7[%dma_wait3A_51] : memref<4096xi32, #tpu.memory_space<vmem>> -> memref<1024xi32, #tpu.memory_space<vmem>>
    %dma_wait3A_53 = tpu.memref_slice %arg2[%dma_wait3A_50, %mul3A_2] : memref<2x16384xi32, #tpu.memory_space<hbm>> -> memref<1x1024xi32, #tpu.memory_space<hbm>>
    %dma_wait3A_54 = tpu.memref_squeeze %dma_wait3A_53 : memref<1x1024xi32, #tpu.memory_space<hbm>> -> memref<1024xi32, #tpu.memory_space<hbm>>
    %dma_wait3A_55 = arith.constant 1024 : i32
    %dma_wait3A_56 = tpu.memref_slice %arg7[%dma_wait3A_55] : memref<4096xi32, #tpu.memory_space<vmem>> -> memref<1024xi32, #tpu.memory_space<vmem>>
    %dma_wait3A_57 = tpu.memref_slice %arg2[%dma_wait3A_50, %mul3A_2] : memref<2x16384xi32, #tpu.memory_space<hbm>> -> memref<1x1024xi32, #tpu.memory_space<hbm>>
    %dma_wait3A_58 = tpu.memref_squeeze %dma_wait3A_57 : memref<1x1024xi32, #tpu.memory_space<hbm>> -> memref<1024xi32, #tpu.memory_space<hbm>>
    tpu.wait_dma2 semaphore(%arg11 : memref<!tpu.dma_semaphore, #tpu.memory_space<semaphore_mem>>) src(%dma_wait3A_58 : memref<1024xi32, #tpu.memory_space<hbm>>) dst(%dma_wait3A_56 : memref<1024xi32, #tpu.memory_space<vmem>>)
    %dma_wait3A_59 = arith.constant 0 : i32
    %dma_wait3A_60 = arith.constant 2048 : i32
    %dma_wait3A_61 = tpu.memref_slice %arg7[%dma_wait3A_60] : memref<4096xi32, #tpu.memory_space<vmem>> -> memref<1024xi32, #tpu.memory_space<vmem>>
    %dma_wait3A_62 = tpu.memref_slice %arg3[%dma_wait3A_59, %mul3A_2] : memref<2x16384xi32, #tpu.memory_space<hbm>> -> memref<1x1024xi32, #tpu.memory_space<hbm>>
    %dma_wait3A_63 = tpu.memref_squeeze %dma_wait3A_62 : memref<1x1024xi32, #tpu.memory_space<hbm>> -> memref<1024xi32, #tpu.memory_space<hbm>>
    %dma_wait3A_64 = arith.constant 2048 : i32
    %dma_wait3A_65 = tpu.memref_slice %arg7[%dma_wait3A_64] : memref<4096xi32, #tpu.memory_space<vmem>> -> memref<1024xi32, #tpu.memory_space<vmem>>
    %dma_wait3A_66 = tpu.memref_slice %arg3[%dma_wait3A_59, %mul3A_2] : memref<2x16384xi32, #tpu.memory_space<hbm>> -> memref<1x1024xi32, #tpu.memory_space<hbm>>
    %dma_wait3A_67 = tpu.memref_squeeze %dma_wait3A_66 : memref<1x1024xi32, #tpu.memory_space<hbm>> -> memref<1024xi32, #tpu.memory_space<hbm>>
    tpu.wait_dma2 semaphore(%arg11 : memref<!tpu.dma_semaphore, #tpu.memory_space<semaphore_mem>>) src(%dma_wait3A_67 : memref<1024xi32, #tpu.memory_space<hbm>>) dst(%dma_wait3A_65 : memref<1024xi32, #tpu.memory_space<vmem>>)
    %dma_wait3A_68 = arith.constant 1 : i32
    %dma_wait3A_69 = arith.constant 3072 : i32
    %dma_wait3A_70 = tpu.memref_slice %arg7[%dma_wait3A_69] : memref<4096xi32, #tpu.memory_space<vmem>> -> memref<1024xi32, #tpu.memory_space<vmem>>
    %dma_wait3A_71 = tpu.memref_slice %arg3[%dma_wait3A_68, %mul3A_2] : memref<2x16384xi32, #tpu.memory_space<hbm>> -> memref<1x1024xi32, #tpu.memory_space<hbm>>
    %dma_wait3A_72 = tpu.memref_squeeze %dma_wait3A_71 : memref<1x1024xi32, #tpu.memory_space<hbm>> -> memref<1024xi32, #tpu.memory_space<hbm>>
    %dma_wait3A_73 = arith.constant 3072 : i32
    %dma_wait3A_74 = tpu.memref_slice %arg7[%dma_wait3A_73] : memref<4096xi32, #tpu.memory_space<vmem>> -> memref<1024xi32, #tpu.memory_space<vmem>>
    %dma_wait3A_75 = tpu.memref_slice %arg3[%dma_wait3A_68, %mul3A_2] : memref<2x16384xi32, #tpu.memory_space<hbm>> -> memref<1x1024xi32, #tpu.memory_space<hbm>>
    %dma_wait3A_76 = tpu.memref_squeeze %dma_wait3A_75 : memref<1x1024xi32, #tpu.memory_space<hbm>> -> memref<1024xi32, #tpu.memory_space<hbm>>
    tpu.wait_dma2 semaphore(%arg11 : memref<!tpu.dma_semaphore, #tpu.memory_space<semaphore_mem>>) src(%dma_wait3A_76 : memref<1024xi32, #tpu.memory_space<hbm>>) dst(%dma_wait3A_74 : memref<1024xi32, #tpu.memory_space<vmem>>)
    tpu.wait_dma2 semaphore(%arg12 : memref<!tpu.dma_semaphore, #tpu.memory_space<semaphore_mem>>) src(%arg4 : memref<8x8xf32, #tpu.memory_space<hbm>>) dst(%arg8 : memref<8x8xf32, #tpu.memory_space<vmem>>)
    %dma_wait3A_77 = arith.constant 0 : i32
    %dma_wait3A_78 = tpu.memref_slice %arg9[%dma_wait3A_77] : memref<16xf32, #tpu.memory_space<vmem>> -> memref<1xf32, #tpu.memory_space<vmem>>
    %dma_wait3A_79 = arith.constant 0 : i32
    %dma_wait3A_80 = tpu.memref_slice %arg9[%dma_wait3A_79] : memref<16xf32, #tpu.memory_space<vmem>> -> memref<1xf32, #tpu.memory_space<vmem>>
    tpu.wait_dma2 semaphore(%arg12 : memref<!tpu.dma_semaphore, #tpu.memory_space<semaphore_mem>>) src(%arg5 : memref<1xf32, #tpu.memory_space<hbm>>) dst(%dma_wait3A_80 : memref<1xf32, #tpu.memory_space<vmem>>)
    %get3A = arith.constant 0 : index
    %get3A_81 = tpu.vector_load %arg9[%get3A] {strides = array<i32>} : memref<16xf32, #tpu.memory_space<vmem>>, vector<16xf32>,
    %slice3A = vector.extract_strided_slice %get3A_81 {offsets = [0], sizes = [1], strides = [1]} : vector<16xf32> to vector<1xf32>
    %squeeze3A = vector.extract %slice3A[0] : f32 from vector<1xf32>
    %scan3A = arith.constant 0 : i32
    %scan3A_82 = arith.constant 64 : i32
    %scan3A_83 = arith.addi %scan3A, %scan3A_82 : i32
    %scan3A_84 = arith.constant 1 : i32
    scf.for %scan3A_86 = %scan3A to %scan3A_83 step %scan3A_84  : i32 {
      %mul3A_87 = arith.constant 1 : i32
      %mul3A_88 = arith.muli %scan3A_86, %mul3A_87 : i32
      %add3A_89 = arith.constant 0 : i32
      %add3A_90 = arith.addi %add3A_89, %mul3A_88 : i32
      %mul3A_91 = arith.constant 16 : i32
      %mul3A_92 = arith.muli %add3A_90, %mul3A_91 : i32
      %get3A_93 = arith.index_cast %mul3A_92 : i32 to index
      %get3A_94 = tpu.vector_load %arg7[%get3A_93] {strides = array<i32>} : memref<4096xi32, #tpu.memory_space<vmem>>, vector<16xi32>,
      %add3A_95 = arith.constant 1024 : i32
      %add3A_96 = arith.addi %add3A_95, %mul3A_92 : i32
      %get3A_97 = arith.index_cast %add3A_96 : i32 to index
      %get3A_98 = tpu.vector_load %arg7[%get3A_97] {strides = array<i32>} : memref<4096xi32, #tpu.memory_space<vmem>>, vector<16xi32>,
      %add3A_99 = arith.constant 2048 : i32
      %add3A_100 = arith.addi %add3A_99, %mul3A_92 : i32
      %get3A_101 = arith.index_cast %add3A_100 : i32 to index
      %get3A_102 = tpu.vector_load %arg7[%get3A_101] {strides = array<i32>} : memref<4096xi32, #tpu.memory_space<vmem>>, vector<16xi32>,
      %add3A_103 = arith.constant 3072 : i32
      %add3A_104 = arith.addi %add3A_103, %mul3A_92 : i32
      %get3A_105 = arith.index_cast %add3A_104 : i32 to index
      %get3A_106 = tpu.vector_load %arg7[%get3A_105] {strides = array<i32>} : memref<4096xi32, #tpu.memory_space<vmem>>, vector<16xi32>,
      %gather3A = tpu.vector_load_idx %arg8[%get3A_106, %get3A_98] : memref<8x8xf32, #tpu.memory_space<vmem>>[vector<16xi32>, vector<16xi32>], vector<16xf32>,
      %sub3A = arith.subi %get3A_94, %get3A_102 : vector<16xi32>
      %abs3A = math.absi %sub3A : vector<16xi32>
      %convert_element_type3A = arith.sitofp %abs3A : vector<16xi32> to vector<16xf32>
      %mul3A_107 = vector.broadcast %squeeze3A : f32 to vector<16xf32>
      %mul3A_108 = arith.mulf %gather3A, %mul3A_107 : vector<16xf32>
      %neg3A = arith.constant 0.000000e+00 : f32
      %neg3A_109 = arith.subf %neg3A, %squeeze3A : f32
      %mul3A_110 = vector.broadcast %neg3A_109 : f32 to vector<16xf32>
      %mul3A_111 = arith.mulf %mul3A_110, %convert_element_type3A : vector<16xf32>
      %exp3A = math.exp %mul3A_111 : vector<16xf32>
      %mul3A_112 = arith.mulf %mul3A_108, %exp3A : vector<16xf32>
      %swap3A = arith.index_cast %mul3A_92 : i32 to index
      %swap3A_113 = tpu.vector_load %arg10[%swap3A] {strides = array<i32>} : memref<1024xf32, #tpu.memory_space<vmem>>, vector<16xf32>,
      tpu.vector_store %arg10[%swap3A], %mul3A_112 {strides = array<i32>} : memref<1024xf32, #tpu.memory_space<vmem>>, vector<16xf32>,
    }
    %scan3A_85 = arith.constant 64 : i32
    "tpu.region"() ({
      %run_scoped3A = tpu.sem_alloc : memref<!tpu.dma_semaphore, #tpu.memory_space<semaphore_mem>>
      %dma_start3A_86 = tpu.memref_slice %arg6[%mul3A_2] : memref<16384xf32, #tpu.memory_space<hbm>> -> memref<1024xf32, #tpu.memory_space<hbm>>
      %dma_start3A_87 = tpu.memref_slice %arg6[%mul3A_2] : memref<16384xf32, #tpu.memory_space<hbm>> -> memref<1024xf32, #tpu.memory_space<hbm>>
      tpu.enqueue_dma source(%arg10 : memref<1024xf32, #tpu.memory_space<vmem>>) target(%dma_start3A_87 : memref<1024xf32, #tpu.memory_space<hbm>>) target_semaphore(%run_scoped3A : memref<!tpu.dma_semaphore, #tpu.memory_space<semaphore_mem>>)
      %dma_wait3A_88 = tpu.memref_slice %arg6[%mul3A_2] : memref<16384xf32, #tpu.memory_space<hbm>> -> memref<1024xf32, #tpu.memory_space<hbm>>
      %dma_wait3A_89 = tpu.memref_slice %arg6[%mul3A_2] : memref<16384xf32, #tpu.memory_space<hbm>> -> memref<1024xf32, #tpu.memory_space<hbm>>
      tpu.wait_dma2 semaphore(%run_scoped3A : memref<!tpu.dma_semaphore, #tpu.memory_space<semaphore_mem>>) src(%arg10 : memref<1024xf32, #tpu.memory_space<vmem>>) dst(%dma_wait3A_89 : memref<1024xf32, #tpu.memory_space<hbm>>)
      tpu.yield
    }) : () -> ()
    return
  }
}

</mosaic_0001>

<sc_bundles>
// kernel: kernel.3.cloned.1.call-start
scs
__scs_entry_jumppad:
0x0: {  	(pc) =	sbr.rel $0x88, $3  }
0x1: {  	(tag) =	ssettag $0x0;
	lr =	simm.s32 $0x1  }
0x2: {  	[smem:$0x3F9D] =	sst lr;
	_ =	strace $0xD0000000  }
0x3: {  	_ = 	snop  }
0x4: {  	_ = 	snop  }
0x5: {  	_ = 	snop  }
0x6: {  	_ = 	snop  }
0x7: {  	_ = 	snop  }
__scs_overlays_trampoline_lowered:
0x8: {  	[smem:$0x3FAC] =	sst s0  }
0x9: {  	[smem:$0x3FAD] =	sst s1  }
0xa: {  	[smem:$0x3FAE] =	sst s2  }
0xb: {  	[smem:$0x3FAF] =	sst s3  }
0xc: {  	[smem:$0x3FB0] =	sst s4  }
0xd: {  	[smem:$0x3FB1] =	sst s5  }
0xe: {  	[smem:$0x3FB2] =	sst s6  }
0xf: {  	[smem:$0x3FB3] =	sst s7  }
0x10: {  	[smem:$0x3FB4] =	sst s8  }
0x11: {  	[smem:$0x3FB5] =	sst s9;
	s0 =	simm.s32 @!p0 $0x0  }
0x12: {  	s1 =	sld [smem:$0x3F9B];
	s0 =	simm.s32 @p0 $0x1  }
0x13: {  	[smem:$0x3FB6] =	sst s0;
	s0 =	simm.s32 @!p1 $0x0  }
0x14: {  	s2 =	sld [smem:$0x3F9A];
	s0 =	simm.s32 @p1 $0x1  }
0x15: {  	[smem:$0x3FB7] =	sst s0;
	s0 =	simm.s32 @!p2 $0x0  }
0x16: {  	s3 =	sld [smem:$0x3FDB];
	s0 =	simm.s32 @p2 $0x1  }
0x17: {  	s4 =	simm.s32 $0x1BF5;
	[smem:$0x3FB9] =	sst s0  }
0x18: {  	s0 =	sld [smem:$0x3F9C];
	_ =	swait.ge [sflag:s4], $0x0  }
0x19: {  	s7 =	sld [smem:$0x3F9D]  }
0x1a: {  	s8 =	sadd.s32 $0xFFFFE003, lr  }
0x1b: {  	s9 =	sadd.s32 $0xFFFFFEF7, lr;
	s5 =	simm.s32 $0xFFFFFFFF;
	p2 =	slt.u32 s8, $0xFFFFF086  }
0x1c: {  	p1 =	slt.u32 s9, $0xF7A;
	s5 =	simm.s32 @!p2 $0x0  }
0x1d: {  	s5 =	simm.s32 @p1 $0x1;
	p0 =	seq.s32 s7, s2  }
0x1e: {  	s7 =	smul.u32 @!p0 $0xF7A, s2;
	p2 =	seq.s32 @!p0 s5, $0x0  }
0x1f: {  	s9 =	smul.u32 $0xF7A, s1;
	s8 =	simm.s32 @!p0 $0x1BF5;
	p2 =	por !p2, p0  }
0x20: {  	[sflag:s8] =	ssyncset.s32 @!p0 $0xFFFFF086;
	s6 =	sadd.s32 @!p0 s3, s7;
	s7 =	simm.s32 @!p0 $0x108  }
0x21: {  	s3 =	sadd.s32 s3, s9;
	s6 =	sadd.s32 @!p0 $0x88, s6;
	s7 =	simm.s32 @p2 $0x1082  }
0x22: {  	[simem:s7], [sflag:s8] =	dma.local @!p0 [hbm:s6], $0xF7A  }
0x23: {  	s9 =	sor.u32 $0xD0000000, s2;
	s6 =	simm.s32 $0x108;
	_ =	swait.ge @!p0 [sflag:s8], $0x0  }
0x24: {  	s3 =	sadd.s32 $0x88, s3;
	s6 =	simm.s32 @!p1 $0x1082;
	[sflag:s4] =	ssyncset.s32 $0xFFFFF086  }
0x25: {  	[simem:s6], [sflag:s4] =	dma.local [hbm:s3], $0xF7A  }
0x26: {  	[smem:$0x3F9D] =	sst s1;
	(tag) =	ssettag s2;
	_ =	strace s9  }
0x27: {  	s1 =	sld [smem:$0x3FAD]  }
0x28: {  	s2 =	sld [smem:$0x3FAE]  }
0x29: {  	s4 =	sld [smem:$0x3FB0]  }
0x2a: {  	p0 =	seq.s32 s5, $0x0;
	s5 =	sld [smem:$0x3FB1]  }
0x2b: {  	s6 =	sld [smem:$0x3FB2]  }
0x2c: {  	s7 =	sld [smem:$0x3FB3]  }
0x2d: {  	s3 =	simm.s32 $0x108;
	s8 =	sld [smem:$0x3FB4]  }
0x2e: {  	s3 =	simm.s32 @!p0 $0x1082;
	s9 =	sld [smem:$0x3FB5]  }
0x2f: {  	lr =	sadd.s32 s0, s3;
	s0 =	sld [smem:$0x3FAC]  }
0x30: {  	s3 =	sld [smem:$0x3FAF]  }
0x31: {  	[smem:$0x3FB8] =	sst s10  }
0x32: {  	s10 =	sld [smem:$0x3FB6];
	_ =	sdelay $0x3  }
0x33: {  	p0 =	seq.s32 s10, $0x1;
	s10 =	sld [smem:$0x3FB8];
	_ =	sdelay $0x3  }
0x34: {  	[smem:$0x3FB8] =	sst s10  }
0x35: {  	s10 =	sld [smem:$0x3FB7];
	_ =	sdelay $0x3  }
0x36: {  	p1 =	seq.s32 s10, $0x1;
	s10 =	sld [smem:$0x3FB8];
	_ =	sdelay $0x3  }
0x37: {  	[smem:$0x3FB8] =	sst s10  }
0x38: {  	s10 =	sld [smem:$0x3FB9]  }
0x39: {  	_ = 	snop;
	(pc) =	sbr.ind lr, $3  }
0x3a: {  	_ = 	snop  }
0x3b: {  	_ = 	snop  }
0x3c: {  	p2 =	seq.s32 s10, $0x1;
	s10 =	sld [smem:$0x3FB8]  }
0x3d: {  	_ =	shalt  }
0x3e: {  	_ =	shalt  }
0x3f: {  	_ =	shalt  }
0x40: {  	_ =	shalt  }
0x41: {  	_ =	shalt  }
0x42: {  	_ =	shalt  }
0x43: {  	_ =	shalt  }
0x44: {  	_ =	shalt  }
0x45: {  	_ =	shalt  }
0x46: {  	_ =	shalt  }
0x47: {  	_ =	shalt  }
0x48: {  	_ =	shalt  }
0x49: {  	_ =	shalt  }
0x4a: {  	_ =	shalt  }
0x4b: {  	_ =	shalt  }
0x4c: {  	_ =	shalt  }
0x4d: {  	_ =	shalt  }
0x4e: {  	_ =	shalt  }
0x4f: {  	_ =	shalt  }
0x50: {  	_ =	shalt  }
0x51: {  	_ =	shalt  }
0x52: {  	_ =	shalt  }
0x53: {  	_ =	shalt  }
0x54: {  	_ =	shalt  }
0x55: {  	_ =	shalt  }
0x56: {  	_ =	shalt  }
0x57: {  	_ =	shalt  }
0x58: {  	_ =	shalt  }
0x59: {  	_ =	shalt  }
0x5a: {  	_ =	shalt  }
0x5b: {  	_ =	shalt  }
0x5c: {  	_ =	shalt  }
0x5d: {  	_ =	shalt  }
0x5e: {  	_ =	shalt  }
0x5f: {  	_ =	shalt  }
0x60: {  	_ =	shalt  }
0x61: {  	_ =	shalt  }
0x62: {  	_ =	shalt  }
0x63: {  	_ =	shalt  }
0x64: {  	_ =	shalt  }
0x65: {  	_ =	shalt  }
0x66: {  	_ =	shalt  }
0x67: {  	_ =	shalt  }
0x68: {  	_ =	shalt  }
0x69: {  	_ =	shalt  }
0x6a: {  	_ =	shalt  }
0x6b: {  	_ =	shalt  }
0x6c: {  	_ =	shalt  }
0x6d: {  	_ =	shalt  }
0x6e: {  	_ =	shalt  }
0x6f: {  	_ =	shalt  }
0x70: {  	_ =	shalt  }
0x71: {  	_ =	shalt  }
0x72: {  	_ =	shalt  }
0x73: {  	_ =	shalt  }
0x74: {  	_ =	shalt  }
0x75: {  	_ =	shalt  }
0x76: {  	_ =	shalt  }
0x77: {  	_ =	shalt  }
0x78: {  	_ =	shalt  }
0x79: {  	_ =	shalt  }
0x7a: {  	_ =	shalt  }
0x7b: {  	_ =	shalt  }
0x7c: {  	_ =	shalt  }
0x7d: {  	_ =	shalt  }
0x7e: {  	_ =	shalt  }
0x7f: {  	_ =	shalt  }
0x80: {  	_ =	shalt  }
0x81: {  	_ =	shalt  }
0x82: {  	_ =	shalt  }
0x83: {  	_ =	shalt  }
0x84: {  	_ =	shalt  }
0x85: {  	_ =	shalt  }
0x86: {  	_ =	shalt  }
0x87: {  	_ =	shalt  }
.Lfunc_end0:
.L_simem_size_0:
called_computation_lowered:
.L_overlay_start_0:
0x88: {  	s0 =	sld [smem:$0x3FD9]  }
0x89: {  	s1 =	sld [smem:$0x3FFE];
	_ =	sdelay $0x3  }
0x8a: {  	s0 =	sadd.s32 s1, s0  }
0x8b: {  	[smem:$0x3FC4] =	sst s0  }
0x8c: {  	_ = 	snop  }
0x8d: {  	s0 =	sld [smem:$0x3FC9]  }
0x8e: {  	s17 =	sld [smem:$0x3FC8]  }
0x8f: {  	s2 =	sld [smem:$0x3FC7]  }
0x90: {  	s3 =	sld [smem:$0x3FC6]  }
0x91: {  	s4 =	sld [smem:$0x3FD0];
	(tm) =	ssettm $0x1  }
0x92: {  	s5 =	sld [smem:$0x3FFB];
	_ =	sdelay $0x3  }
0x93: {  	_ =	strace s5  }
0x94: {  	s5 =	sld [smem:$0x3FFC];
	_ =	sdelay $0x3  }
0x95: {  	_ =	strace s5  }
0x96: {  	s5 =	sld [smem:$0x3FFD];
	_ =	sdelay $0x3  }
0x97: {  	_ =	strace s5  }
0x98: {  	_ =	strace $0x8FFFFFFF  }
0x99: {  	s18 =	sld [smem:$0x3FDB];
	_ =	sdelay $0x1  }
0x9a: {  	s6 =	simm.s32 $_scs_section_size  }
0x9b: {  	s7 =	simm.s32 $_size__tile_overlayer_lowered;
	s8 =	simm.s32 $_tile_overlayer_lowered  }
0x9c: {  	s21 =	simm.s32 $0x1BFF;
	s20 =	sshll.u32 s8, $0x1;
	s5 =	sadd.s32 s6, s18  }
0x9d: {  	s9 =	simm.s32 $0x0;
	s19 =	sshll.u32 s7, $0x1;
	s7 =	sadd.s32 s20, s5  }
0x9e: {  	[timem:s9], [sflag:s21] =	dma.local [hbm:s7], s19  }
0x9f: {  	_ =	swait.ge [sflag:s21], s19  }
0xa0: {  	s6 =	ssub.s32 $0x0, s19;
	[sflag:s21] =	ssyncset.done $0x0  }
0xa1: {  	[sflag:s21] =	ssyncadd.s32 s6;
	_ =	sdelay $0x1  }
0xa2: {  	s22 =	simm.s32 $0x1B8B  }
0xa3: {  	_ =	swait.ge [sflag:s22], $0x1  }
0xa4: {  	[sflag:s22] =	ssyncset.done $0x0  }
0xa5: {  	s23 =	simm.s32 $0x1B8E;
	[sflag:s22] =	ssyncadd.s32 $0xFFFFFFFF  }
0xa6: {  	s24 =	simm.s32 $execute0_lowered;
	[smem:$0x3FD2] =	sst s23  }
0xa7: {  	s6 =	sshll.u32 s24, $0x1;
	_ =	strace $0x80000046;
	[dreg:$0x1] =	wrdreg $0xFFFFFFFF  }
0xa8: {  	s25 =	simm.s32 $_size_execute0_lowered;
	s5 =	sadd.s32 s5, s6;
	[dreg:$0x0] =	wrdreg $0x0  }
0xa9: {  	s6 =	sshll.u32 s25, $0x1;
	[dreg:$0x2] =	wrdreg s5  }
0xaa: {  	[dreg:$0x3] =	wrdreg s6  }
0xab: {  	[dreg:$0x4] =	wrdreg $0xC0  }
0xac: {  	_ =	task [dreg:s9], $0x5FFFF  }
0xad: {  	[dreg:$0x1] =	wrdreg $0xFFFFFFFF  }
0xae: {  	[dreg:$0x0] =	wrdreg $0x60  }
0xaf: {  	[dreg:$0x2] =	wrdreg s0  }
0xb0: {  	[dreg:$0x3] =	wrdreg s17  }
0xb1: {  	[dreg:$0x4] =	wrdreg s2  }
0xb2: {  	[dreg:$0x5] =	wrdreg s3  }
0xb3: {  	[dreg:$0x6] =	wrdreg s4  }
0xb4: {  	[dreg:$0x7] =	wrdreg $0x9  }
0xb5: {  	_ =	task.clear_ibuf [dreg:s9], $0x8FFFF;
	_ =	strace $0x90000046  }
0xb6: {  	s26 =	simm.s32 $0x9;
	_ =	strace $0x80000048  }
0xb7: {  	_ =	swait.ge [sflag:s26], $0x1  }
0xb8: {  	[sflag:s26] =	ssyncadd.s32 $0xFFFFFFFF  }
0xb9: {  	_ =	strace $0x90000048  }
0xba: {  	_ =	sfence  }
0xbb: {  	s28 =	sld [smem:$0x0];
	_ =	sdelay $0x1  }
0xbc: {  	s29 =	srdreg.scid  }
0xbd: {  	s30 =	sshll.u32 s29, $0xD;
	s31 =	sshrl.u32 s29, $0x2  }
0xbe: {  	s1 =	sand.u32 $0x1, s29;
	s2 =	sand.u32 $0x4000, s30;
	s0 =	sadd.s32 s31, s28  }
0xbf: {  	s1 =	sor.u32 s2, s1;
	s0 =	sshll.u32 s0, $0x11  }
0xc0: {  	s0 =	sor.u32 s0, s1  }
0xc1: {  	s0 =	sadd.s32 $0x8F2B, s0  }
0xc2: {  	[sflag:s0] =	ssyncadd.remote.s32 $0x1  }
0xc3: {  	_ =	sfence.sel $0xFFFF  }
0xc4: {  	[dreg:$0x0] =	wrdreg $0xFFFFFFFF;
	(pc) =	sbr.abs _section_cstart, $3  }
0xc5: {  	[dreg:$0x1] =	wrdreg $0xFFFFFFFF  }
0xc6: {  	_ =	task.clear_ibuf [dreg:s9], $0x2FFFF;
	_ =	strace $0x9FFFFFFF  }
0xc7: {  	(tm) =	ssettm $0x7FFFFFFF  }
tec
execute0_lowered:
.L_overlay_start_1:
0x0: {  	(tag) =	ssettag $0x1  }
0x1: {  	s4 =	rddreg [dreg:$0x0]  }
0x2: {  	s5 =	rddreg [dreg:$0x1]  }
0x3: {  	s6 =	rddreg [dreg:$0x2]  }
0x4: {  	s7 =	rddreg [dreg:$0x3]  }
0x5: {  	s2 =	rddreg [dreg:$0x4]  }
0x6: {  	s0 =	rddreg [dreg:$0x5];
	s8 =	simm.s32 $0x0  }
0x7: {  	[smem:$0x7FF] =	sst s8  }
0x8: {  	s1 =	stileid.u32;
	s3 =	simm.s32 $0x1000;
	_ =	strace $0x80000047  }
0x9: {  	[tilespmem:s3], [sflag:$0x2] =	stream.linear.gather [hbm4b:s6+s8], $0x400, $0x38;
	[tilespmem:$0x1880] =	vst v63  }
0xa: {  	s10 =	simm.s32 $0x1400;
	s21 =	simm.s32 $0x80;
	s9 =	sshll.u32 s1, $0x8  }
0xb: {  	[tilespmem:s10], [sflag:$0x2] =	stream.linear.gather [hbm4b:s7+s8], $0x1, $0x38;
	[tilespmem:$0x1880] =	vst v63  }
0xc: {  	s11 =	simm.s32 $0x100;
	s19 =	sadd.s32 s4, s9;
	s20 =	sor.u32 $0x10, s9  }
0xd: {  	[tilespmem:s8], [sflag:$0x1] =	stream.strided.gather [hbm4b:s19+s21], $0x400, s11, s21, $0x38;
	[tilespmem:$0x1880] =	vst v63  }
0xe: {  	s22 =	simm.s32 $0x400;
	s4 =	sadd.s32 s4, s20  }
0xf: {  	[tilespmem:s22], [sflag:$0x1] =	stream.strided.gather [hbm4b:s4+s21], $0x400, s11, s21, $0x38;
	[tilespmem:$0x1880] =	vst v63  }
0x10: {  	s24 =	simm.s32 $0x800;
	s23 =	sadd.s32 s5, s9  }
0x11: {  	[tilespmem:s24], [sflag:$0x1] =	stream.strided.gather [hbm4b:s23+s21], $0x400, s11, s21, $0x38;
	[tilespmem:$0x1880] =	vst v63  }
0x12: {  	s26 =	simm.s32 $0xC00;
	s28 =	simm.s32 $0x1;
	s25 =	sadd.s32 s5, s20  }
0x13: {  	[tilespmem:s26], [sflag:$0x1] =	stream.strided.gather [hbm4b:s25+s21], $0x400, s11, s21, $0x38;
	[tilespmem:$0x1880] =	vst v63  }
0x14: {  	_ =	swait.ge [sflag:s28], $0x400  }
0x15: {  	[sflag:s28] =	ssyncset.done $0x0  }
0x16: {  	[sflag:s28] =	ssyncadd.s32 $0xFFFFFC00  }
0x17: {  	_ =	swait.ge [sflag:s28], $0x400  }
0x18: {  	[sflag:s28] =	ssyncset.done $0x0  }
0x19: {  	[sflag:s28] =	ssyncadd.s32 $0xFFFFFC00  }
0x1a: {  	_ =	swait.ge [sflag:s28], $0x400  }
0x1b: {  	[sflag:s28] =	ssyncset.done $0x0  }
0x1c: {  	[sflag:s28] =	ssyncadd.s32 $0xFFFFFC00  }
0x1d: {  	_ =	swait.ge [sflag:s28], $0x400  }
0x1e: {  	[sflag:s28] =	ssyncset.done $0x0  }
0x1f: {  	s29 =	simm.s32 $0x2;
	[sflag:s28] =	ssyncadd.s32 $0xFFFFFC00  }
0x20: {  	_ =	swait.ge [sflag:s29], $0x400  }
0x21: {  	[sflag:s29] =	ssyncset.done $0x0  }
0x22: {  	[sflag:s29] =	ssyncadd.s32 $0xFFFFFC00  }
0x23: {  	_ =	swait.ge [sflag:s29], $0x1  }
0x24: {  	[sflag:s29] =	ssyncset.done $0x0  }
0x25: {  	[sflag:s29] =	ssyncadd.s32 $0xFFFFFFFF  }
0x26: {  	v1 =	vld [tilespmem:$0x1400];
	_ =	sdelay $0x4  }
0x27: {  	(v2sf) =	vpush v1, $0x0;
	_ =	sdelay $0x6  }
0x28: {  	s30 =	sand.u32 $0x3F0, s8  }
0x29: {  	v0 =	vld [tilespmem:s30+$0x800]  }
0x2a: {  	v2 =	vld [tilespmem:s8+$0x0];
	_ =	sdelay $0x3  }
0x2b: {  	v3 =	vld [tilespmem:s30+$0xC00]  }
0x2c: {  	v4 =	vld [tilespmem:s30+$0x400];
	v0 =	vsub.s32 v2, v0  }
0x2d: {  	v2 =	vsub.s32 $0x0, v0;
	s31 =	spop (v2sf)  }
0x2e: {  	v0 =	vmin.u32 v0, v2;
	s4 =	ssub.f32 $0.0e+00, s31  }
0x2f: {  	v2 =	vcvt.s32.f32 v0  }
0x30: {  	v0 =	vmov s4  }
0x31: {  	v5 =	vand.u32 $0xFFFFFF80, v4;
	v3 =	vshll.u32 v3, $0x7;
	v2 =	vmul.f32 v2, v0  }
0x32: {  	v4 =	vand.u32 $0x7F, v4;
	v3 =	vadd.s32 v5, v3  }
0x33: {  	v3 =	vor.u32 v4, v3;
	v2 =	vmul.f32 $1.442695020e+00, v2;
	_ =	sdelay $0x1  }
0x34: {  	(erf) = vpow2.f32 v2;
	_ =	sdelay $0x2  }
0x35: {  	v2 =	vld.idx.msk [tilespmem:v3+s3+$0x0], $0xffff;
	_ =	sdelay $0x2  }
0x36: {  	v1 =	vbroadcast v1, $0x0;
	_ =	sdelay $0x1  }
0x37: {  	v2 =	vmul.f32 v2, v1  }
0x38: {  	v3 =	vpop (erf)  }
0x39: {  	v2 =	vmul.f32 v3, v2  }
0x3a: {  	s5 =	simm.s32 $0x10;
	s4 =	simm.s32 $0x1480  }
0x3b: {  	s7 =	sand.u32 $0x3F0, s5;
	[tilespmem:s4+$0x0] =	vst v2  }
0x3c: {  	s6 =	simm.s32 $0x20;
	v2 =	vld [tilespmem:s7+$0x800]  }
.LBB2_1:
0x3d: {  	p0 =	sne.s32 s6, $0x3F0;
	v3 =	vld [tilespmem:s5+$0x0];
	_ =	sdelay $0x2  }
0x3e: {  	v4 =	vld [tilespmem:s7+$0xC00]  }
0x3f: {  	v5 =	vld [tilespmem:s7+$0x400]  }
0x40: {  	v2 =	vsub.s32 v3, v2  }
0x41: {  	v3 =	vsub.s32 $0x0, v2  }
0x42: {  	v2 =	vmin.u32 v2, v3  }
0x43: {  	v2 =	vcvt.s32.f32 v2  }
0x44: {  	v4 =	vshll.u32 v4, $0x7;
	v3 =	vand.u32 $0xFFFFFF80, v5  }
0x45: {  	v5 =	vand.u32 $0x7F, v5;
	v3 =	vadd.s32 v3, v4;
	v2 =	vmul.f32 v2, v0  }
0x46: {  	v3 =	vor.u32 v5, v3  }
0x47: {  	v2 =	vmul.f32 $1.442695020e+00, v2;
	_ =	sdelay $0x1  }
0x48: {  	(erf) = vpow2.f32 v2;
	_ =	sdelay $0x1  }
0x49: {  	v2 =	vld.idx.msk [tilespmem:v3+s3+$0x0], $0xffff;
	_ =	sdelay $0x5  }
0x4a: {  	v2 =	vmul.f32 v2, v1  }
.Ltmp0:
0x4b: {  	v3 =	vpop (erf);
	(pc) =	sbr.rel @p0 .LBB2_1-.Ltmp0, $4  }
0x4c: {  	v2 =	vmul.f32 v3, v2  }
0x4d: {  	s4 =	sadd.s32 $0x10, s4  }
0x4e: {  	s7 =	sand.u32 $0x3F0, s6;
	[tilespmem:s4+$0x0] =	vst v2  }
0x4f: {  	s5 =	sadd.s32 $0x10, s5;
	s6 =	sadd.s32 $0x10, s6;
	v2 =	vld [tilespmem:s7+$0x800]  }
0x50: {  	v3 =	vld [tilespmem:s5+$0x0];
	_ =	sdelay $0x3  }
0x51: {  	v4 =	vld [tilespmem:s7+$0xC00]  }
0x52: {  	v5 =	vld [tilespmem:s7+$0x400];
	v2 =	vsub.s32 v3, v2  }
0x53: {  	v3 =	vsub.s32 $0x0, v2  }
0x54: {  	v2 =	vmin.u32 v2, v3  }
0x55: {  	v2 =	vcvt.s32.f32 v2;
	_ =	sdelay $0x1  }
0x56: {  	v60 =	vand.u32 $0xFFFFFF80, v5;
	v4 =	vshll.u32 v4, $0x7;
	v0 =	vmul.f32 v2, v0  }
0x57: {  	v61 =	vand.u32 $0x7F, v5;
	v3 =	vadd.s32 v60, v4  }
0x58: {  	v2 =	vor.u32 v61, v3;
	v0 =	vmul.f32 $1.442695020e+00, v0;
	_ =	sdelay $0x1  }
0x59: {  	(erf) = vpow2.f32 v0;
	_ =	sdelay $0x2  }
0x5a: {  	v62 =	vld.idx.msk [tilespmem:v2+s3+$0x0], $0xffff;
	_ =	sdelay $0x4  }
0x5b: {  	v0 =	vmul.f32 v62, v1  }
0x5c: {  	v63 =	vpop (erf)  }
0x5d: {  	v0 =	vmul.f32 v63, v0  }
0x5e: {  	s26 =	sadd.s32 $0x10, s4;
	s28 =	sshll.u32 s1, $0x7;
	s29 =	simm.s32 $0x0  }
0x5f: {  	s30 =	simm.s32 $0x1480;
	s31 =	simm.s32 $0x3;
	s2 =	sadd.s32 s2, s28;
	[tilespmem:s26+$0x0] =	vst v0  }
0x60: {  	[hbm4b:s2+s29] =	stream.linear.scatter [tilespmem:s30], [sflag:$0x3], $0x400, $0x38;
	[tilespmem:$0x1880] =	vst v63  }
0x61: {  	_ =	swait.ge [sflag:s31], $0x400  }
0x62: {  	[sflag:s31] =	ssyncset.done $0x0  }
0x63: {  	[sflag:s31] =	ssyncadd.s32 $0xFFFFFC00  }
0x64: {  	_ =	sfence.sel $0x180000  }
0x65: {  	[bflag:$0x0] =	sbarrier.arrive $0xFFFF  }
0x66: {  	p0 =	sne.s32 s1, $0x0;
	_ =	strace $0x90000047  }
0x67: {  	s0 =	sadd.s32 @!p0 $0x100000, s0;
	[bflag:$0x2] =	sbarrier.arrive $0xFFFF  }
0x68: {  	[sflag:s0] =	ssyncadd.tile.s32 @!p0 $0x1;
	_ =	shalt  }
.Lfunc_end2:
_tile_overlayer_lowered:
.L_overlay_start_2:
0x69: {  	(tag) =	ssettag $0x2  }
0x6a: {  	s0 =	rddreg [dreg:$0x0];
	s2 =	stileid.u32  }
0x6b: {  	s1 =	rddreg [dreg:$0x1];
	p0 =	sne.s32 s2, $0x0  }
0x6c: {  	s3 =	rddreg [dreg:$0x2];
	[bflag:$0x3] =	sbarrier.arrive $0xFFFF;
	s2 =	simm.s32 @!p0 $0x1C03  }
0x6d: {  	[timem:s3], [sflag:s2] =	dma.local @!p0 [hbm:s0], s1  }
0x6e: {  	s0 =	simm.s32 @!p0 $0x3  }
0x6f: {  	_ =	swait.ge @!p0 [sflag:s0], s1  }
0x70: {  	s1 =	ssub.s32 @!p0 $0x0, s1;
	[sflag:s0] =	ssyncset.done @!p0 $0x0  }
0x71: {  	[sflag:s0] =	ssyncadd.s32 @!p0 s1  }
0x72: {  	[bflag:$0x3] =	sbarrier.arrive $0xFFFF  }
0x73: {  	_ =	shalt  }

</sc_bundles>
